<compile_context>
chip_gen: v7x
topology: tpu7x:2x2x1
jax: 0.10.2.dev20260603
libtpu: 0.0.44.dev20260713+nightly
codegen_flags: <defaults>
</compile_context>

<pallas_src>
import jax
import jax.numpy as jnp
from jax import lax
from jax.experimental import pallas as pl
from jax.experimental.pallas import tpu as pltpu

_TILE = 128
_ROWCH = 2048
_DEPTH = 4
_BB = 1024


def _make_tile_kernel(width, static_col0=None):

    def kern(x_hbm, ab_ref, clss_ref, t_ref, piece_hbm, buf, insem, outsem):
        nrows = x_hbm.shape[0]
        nr = nrows // _ROWCH
        if static_col0 is None:
            col0 = t_ref[0, 0] * _TILE
        else:
            col0 = static_col0
        alpha = ab_ref[0, 0]
        beta = ab_ref[0, 1]
        c = clss_ref[...]
        cT = c.reshape(c.shape[1], 1)
        cols = col0 + jax.lax.broadcasted_iota(jnp.int32, (1, width), 1)
        m = jnp.any(cT == cols, axis=0, keepdims=True)
        a = jnp.where(m, alpha, jnp.float32(1.0))
        b = jnp.where(m, beta, jnp.float32(0.0))

        def in_copy(k, slot):
            return pltpu.make_async_copy(
                x_hbm.at[pl.ds(k * _ROWCH, _ROWCH), pl.ds(col0, width)],
                buf.at[slot], insem.at[slot])

        def out_copy(k, slot):
            return pltpu.make_async_copy(
                buf.at[slot], piece_hbm.at[pl.ds(k * _ROWCH, _ROWCH), :],
                outsem.at[slot])

        for s in range(min(_DEPTH, nr)):
            in_copy(s, s).start()

        def body(k, carry):
            slot = lax.rem(k, _DEPTH)
            in_copy(k, slot).wait()

            @pl.when(k >= _DEPTH)
            def _():
                out_copy(k - _DEPTH, slot).wait()

            buf[slot] = buf[slot] * a + b
            out_copy(k, slot).start()

            @pl.when(k + _DEPTH < nr)
            def _():
                in_copy(k + _DEPTH, slot).start()

            return carry

        lax.fori_loop(0, nr, body, 0)

        def drain(k, carry):
            out_copy(k, lax.rem(k, _DEPTH)).wait()
            return carry

        lax.fori_loop(max(nr - _DEPTH, 0), nr, drain, 0)

    return kern


def _tile_piece(x, ab, clss2, t, width, static_col0=None):
    batch = x.shape[0]
    t_arr = jnp.reshape(t, (1, 1)).astype(jnp.int32)
    return pl.pallas_call(
        _make_tile_kernel(width, static_col0),
        in_specs=[
            pl.BlockSpec(memory_space=pl.ANY),
            pl.BlockSpec(memory_space=pltpu.VMEM),
            pl.BlockSpec(memory_space=pltpu.VMEM),
            pl.BlockSpec(memory_space=pltpu.VMEM),
        ],
        out_specs=pl.BlockSpec(memory_space=pl.ANY),
        out_shape=jax.ShapeDtypeStruct((batch, width), x.dtype),
        scratch_shapes=[
            pltpu.VMEM((_DEPTH, _ROWCH, width), jnp.float32),
            pltpu.SemaphoreType.DMA((_DEPTH,)),
            pltpu.SemaphoreType.DMA((_DEPTH,)),
        ],
    )(x, ab, clss2, t_arr)


def _stream_kern(x_ref, ab_ref, clss_ref, o_ref):
    n = x_ref.shape[1]
    cols = jax.lax.broadcasted_iota(jnp.int32, (1, n), 1)
    c = clss_ref[...].reshape(clss_ref.shape[1], 1)
    m = jnp.any(c == cols, axis=0, keepdims=True)
    a = jnp.where(m, ab_ref[0, 0], jnp.float32(1.0))
    b = jnp.where(m, ab_ref[0, 1], jnp.float32(0.0))
    o_ref[...] = x_ref[...] * a + b


def _full_stream(x, ab, clss2):
    batch, n = x.shape
    return pl.pallas_call(
        _stream_kern,
        grid=(batch // _BB,),
        in_specs=[
            pl.BlockSpec((_BB, n), lambda i: (i, 0)),
            pl.BlockSpec((1, 2), lambda i: (0, 0)),
            pl.BlockSpec(clss2.shape, lambda i: (0, 0)),
        ],
        out_specs=pl.BlockSpec((_BB, n), lambda i: (i, 0)),
        out_shape=jax.ShapeDtypeStruct((batch, n), x.dtype),
    )(x, ab, clss2)


def kernel(x, alpha, beta, clss):
    batch, n = x.shape
    n_full = n // _TILE
    tail_w = n - n_full * _TILE
    ab = jnp.stack([alpha[0], beta[0]]).reshape(1, 2).astype(jnp.float32)
    clss2 = clss.astype(jnp.int32).reshape(1, -1)
    c32 = clss2[0]
    lo = jnp.min(c32)

    base = jnp.copy(x)

    def fast(base, x, ab, clss2):
        piece_t = _tile_piece(x, ab, clss2, jnp.int32(n_full), tail_w,
                              static_col0=n_full * _TILE)
        return lax.dynamic_update_slice(base, piece_t, (0, n_full * _TILE))

    def slow(base, x, ab, clss2):
        return _full_stream(x, ab, clss2)

    return lax.cond(lo >= n_full * _TILE, fast, slow, base, x, ab, clss2)

# --- scband reference (transcript-rebuilt; emitter-appended) ---
"""Pipeline reference for scband-bias-layer-21577915695765 (READ-ONLY COPY).

The authoritative reference and input builder live on the scoring server;
editing this copy changes nothing except your own understanding.
"""

import jax, jax.numpy as jnp
import numpy as np

BATCH = 16384
N_CLASSES = 1000
CLSS = np.arange(900, 1000, dtype=np.int64)


def setup_inputs(seed: int = 0) -> dict:
    key = jax.random.key(seed)
    kx, = jax.random.split(key, 1)
    x = jax.random.normal(kx, (BATCH, N_CLASSES), dtype=jnp.float32)
    alpha = jnp.ones((1,), dtype=jnp.float32)
    beta = jnp.zeros((1,), dtype=jnp.float32)
    clss = jnp.asarray(CLSS, dtype=jnp.int64)
    return {"x": x, "alpha": alpha, "beta": beta, "clss": clss}


def reference(x, alpha, beta, clss):
    # alpha = torch.ones_like(x); alpha[:, clss] = self.alpha
    a = jnp.ones_like(x).at[:, clss].set(alpha[0])
    # beta = torch.zeros_like(x); beta[:, clss] = self.beta
    b = jnp.zeros_like(x).at[:, clss].set(beta[0])
    return a * x + b

if __name__ == "__main__":
    import jax
    _d = setup_inputs()
    print(jax.jit(kernel)(*tuple(_d.values())))

</pallas_src>

<mosaic_0001>
module attributes {stable_mosaic.version = 14 : i64} {
  func.func @_stream_kern(%arg0: i32, %arg1: memref<1024x1000xf32, #tpu.memory_space<vmem>>, %arg2: memref<1x2xf32, #tpu.memory_space<vmem>>, %arg3: memref<1x100xi32, #tpu.memory_space<vmem>>, %arg4: memref<1024x1000xf32, #tpu.memory_space<vmem>>) attributes {dimension_semantics = [#tpu.dimension_semantics<arbitrary>], iteration_bounds = array<i64: 16>, scalar_prefetch = 0 : i64, scratch_operands = 0 : i64, tpu.core_type = #tpu.core_type<tc>, window_params = [{transform_indices = @transform_0, window_bounds = array<i64: 1024, 1000>}, {pipeline_mode = #tpu.pipeline_mode<synchronous>, transform_indices = @transform_1, window_bounds = array<i64: 1, 2>}, {pipeline_mode = #tpu.pipeline_mode<synchronous>, transform_indices = @transform_2, window_bounds = array<i64: 1, 100>}, {transform_indices = @transform_3, window_bounds = array<i64: 1024, 1000>}]} {
    %iota3A = tpu.iota {dimensions = array<i32: 1>} : vector<1x1000xi32>
    %get3A = arith.constant 0 : index
    %get3A_0 = arith.constant 0 : index
    %get3A_1 = vector.load %arg3[%get3A, %get3A_0] : memref<1x100xi32, #tpu.memory_space<vmem>>, vector<1x100xi32>
    %reshape3A = vector.shape_cast %get3A_1 : vector<1x100xi32> to vector<100x1xi32>
    %eq3A = vector.broadcast %reshape3A : vector<100x1xi32> to vector<100x1000xi32>
    %eq3A_2 = vector.broadcast %iota3A : vector<1x1000xi32> to vector<100x1000xi32>
    %eq3A_3 = arith.cmpi eq, %eq3A, %eq3A_2 : vector<100x1000xi32>
    %reduce_or3A = arith.constant 1.000000e+00 : f32
    %reduce_or3A_4 = arith.constant 0.000000e+00 : f32
    %reduce_or3A_5 = vector.broadcast %reduce_or3A : f32 to vector<100x1000xf32>
    %reduce_or3A_6 = vector.broadcast %reduce_or3A_4 : f32 to vector<100x1000xf32>
    %reduce_or3A_7 = arith.select %eq3A_3, %reduce_or3A_5, %reduce_or3A_6 : vector<100x1000xi1>, vector<100x1000xf32>
    %reduce_or3A_8 = arith.constant dense<0xFF800000> : vector<1000xf32>
    %reduce_or3A_9 = vector.multi_reduction <maximumf>, %reduce_or3A_7, %reduce_or3A_8 [0] : vector<100x1000xf32> to vector<1000xf32>
    %reduce_or3A_10 = arith.constant 0.000000e+00 : f32
    %reduce_or3A_11 = vector.broadcast %reduce_or3A_10 : f32 to vector<1000xf32>
    %reduce_or3A_12 = arith.cmpf ogt, %reduce_or3A_9, %reduce_or3A_11 : vector<1000xf32>
    %broadcast_in_dim3A = vector.shape_cast %reduce_or3A_12 : vector<1000xi1> to vector<1x1000xi1>
    %get3A_13 = arith.constant 0 : index
    %get3A_14 = arith.constant 0 : index
    %get3A_15 = vector.load %arg2[%get3A_13, %get3A_14] : memref<1x2xf32, #tpu.memory_space<vmem>>, vector<1x1xf32>
    %get3A_16 = vector.extract %get3A_15[0, 0] : f32 from vector<1x1xf32>
    %jit3A = arith.constant 1.000000e+00 : f32
    %broadcast_in_dim3A_17 = vector.broadcast %get3A_16 : f32 to vector<1x1000xf32>
    %broadcast_in_dim3A_18 = vector.broadcast %jit3A : f32 to vector<1x1000xf32>
    %select_n3A = arith.select %broadcast_in_dim3A, %broadcast_in_dim3A_17, %broadcast_in_dim3A_18 : vector<1x1000xi1>, vector<1x1000xf32>
    %get3A_19 = arith.constant 0 : index
    %get3A_20 = arith.constant 1 : index
    %get3A_21 = vector.load %arg2[%get3A_19, %get3A_20] : memref<1x2xf32, #tpu.memory_space<vmem>>, vector<1x1xf32>
    %get3A_22 = vector.extract %get3A_21[0, 0] : f32 from vector<1x1xf32>
    %jit3A_23 = arith.constant 0.000000e+00 : f32
    %broadcast_in_dim3A_24 = vector.broadcast %get3A_22 : f32 to vector<1x1000xf32>
    %broadcast_in_dim3A_25 = vector.broadcast %jit3A_23 : f32 to vector<1x1000xf32>
    %select_n3A_26 = arith.select %broadcast_in_dim3A, %broadcast_in_dim3A_24, %broadcast_in_dim3A_25 : vector<1x1000xi1>, vector<1x1000xf32>
    %get3A_27 = arith.constant 0 : index
    %get3A_28 = arith.constant 0 : index
    %get3A_29 = vector.load %arg1[%get3A_27, %get3A_28] : memref<1024x1000xf32, #tpu.memory_space<vmem>>, vector<1024x1000xf32>
    %mul3A = vector.broadcast %select_n3A : vector<1x1000xf32> to vector<1024x1000xf32>
    %mul3A_30 = arith.mulf %get3A_29, %mul3A : vector<1024x1000xf32>
    %add3A = vector.broadcast %select_n3A_26 : vector<1x1000xf32> to vector<1024x1000xf32>
    %add3A_31 = arith.addf %mul3A_30, %add3A : vector<1024x1000xf32>
    %swap3A = arith.constant 0 : index
    %swap3A_32 = arith.constant 0 : index
    %swap3A_33 = vector.load %arg4[%swap3A, %swap3A_32] : memref<1024x1000xf32, #tpu.memory_space<vmem>>, vector<1024x1000xf32>
    tpu.vector_store %arg4[%swap3A, %swap3A_32], %add3A_31 {strides = array<i32>} : memref<1024x1000xf32, #tpu.memory_space<vmem>>, vector<1024x1000xf32>,
    return
  }
  func.func @transform_0(%arg0: i32) -> (i32, i32) {
    %c0_i32 = arith.constant 0 : i32
    %c0_i32_0 = arith.constant 0 : i32
    return %arg0, %c0_i32 : i32, i32
  }
  func.func @transform_1(%arg0: i32) -> (i32, i32) {
    %c0_i32 = arith.constant 0 : i32
    %c0_i32_0 = arith.constant 0 : i32
    %c0_i32_1 = arith.constant 0 : i32
    return %c0_i32, %c0_i32_0 : i32, i32
  }
  func.func @transform_2(%arg0: i32) -> (i32, i32) {
    %c0_i32 = arith.constant 0 : i32
    %c0_i32_0 = arith.constant 0 : i32
    %c0_i32_1 = arith.constant 0 : i32
    return %c0_i32, %c0_i32_0 : i32, i32
  }
  func.func @transform_3(%arg0: i32) -> (i32, i32) {
    %c0_i32 = arith.constant 0 : i32
    %c0_i32_0 = arith.constant 0 : i32
    return %arg0, %c0_i32 : i32, i32
  }
}

module attributes {stable_mosaic.version = 14 : i64} {
  func.func @kern(%arg0: memref<16384x1000xf32, #tpu.memory_space<any>>, %arg1: memref<1x2xf32, #tpu.memory_space<vmem>>, %arg2: memref<1x100xi32, #tpu.memory_space<vmem>>, %arg3: memref<1x1xi32, #tpu.memory_space<vmem>>, %arg4: memref<16384x104xf32, #tpu.memory_space<any>>, %arg5: memref<4x2048x104xf32, #tpu.memory_space<vmem>>, %arg6: memref<4x!tpu.dma_semaphore, #tpu.memory_space<semaphore_mem>>, %arg7: memref<4x!tpu.dma_semaphore, #tpu.memory_space<semaphore_mem>>) attributes {dimension_semantics = [], scalar_prefetch = 0 : i64, scratch_operands = 3 : i64, tpu.core_type = #tpu.core_type<tc>} {
    %get3A = arith.constant 0 : index
    %get3A_0 = arith.constant 0 : index
    %get3A_1 = vector.load %arg1[%get3A, %get3A_0] : memref<1x2xf32, #tpu.memory_space<vmem>>, vector<1x1xf32>
    %get3A_2 = vector.extract %get3A_1[0, 0] : f32 from vector<1x1xf32>
    %get3A_3 = arith.constant 0 : index
    %get3A_4 = arith.constant 1 : index
    %get3A_5 = vector.load %arg1[%get3A_3, %get3A_4] : memref<1x2xf32, #tpu.memory_space<vmem>>, vector<1x1xf32>
    %get3A_6 = vector.extract %get3A_5[0, 0] : f32 from vector<1x1xf32>
    %get3A_7 = arith.constant 0 : index
    %get3A_8 = arith.constant 0 : index
    %get3A_9 = vector.load %arg2[%get3A_7, %get3A_8] : memref<1x100xi32, #tpu.memory_space<vmem>>, vector<1x100xi32>
    %reshape3A = vector.shape_cast %get3A_9 : vector<1x100xi32> to vector<100x1xi32>
    %iota3A = tpu.iota {dimensions = array<i32: 1>} : vector<1x104xi32>
    %add3A = arith.constant 896 : i32
    %add3A_10 = vector.broadcast %add3A : i32 to vector<1x104xi32>
    %add3A_11 = arith.addi %add3A_10, %iota3A : vector<1x104xi32>
    %eq3A = vector.broadcast %reshape3A : vector<100x1xi32> to vector<100x104xi32>
    %eq3A_12 = vector.broadcast %add3A_11 : vector<1x104xi32> to vector<100x104xi32>
    %eq3A_13 = arith.cmpi eq, %eq3A, %eq3A_12 : vector<100x104xi32>
    %reduce_or3A = arith.constant 1.000000e+00 : f32
    %reduce_or3A_14 = arith.constant 0.000000e+00 : f32
    %reduce_or3A_15 = vector.broadcast %reduce_or3A : f32 to vector<100x104xf32>
    %reduce_or3A_16 = vector.broadcast %reduce_or3A_14 : f32 to vector<100x104xf32>
    %reduce_or3A_17 = arith.select %eq3A_13, %reduce_or3A_15, %reduce_or3A_16 : vector<100x104xi1>, vector<100x104xf32>
    %reduce_or3A_18 = arith.constant dense<0xFF800000> : vector<104xf32>
    %reduce_or3A_19 = vector.multi_reduction <maximumf>, %reduce_or3A_17, %reduce_or3A_18 [0] : vector<100x104xf32> to vector<104xf32>
    %reduce_or3A_20 = arith.constant 0.000000e+00 : f32
    %reduce_or3A_21 = vector.broadcast %reduce_or3A_20 : f32 to vector<104xf32>
    %reduce_or3A_22 = arith.cmpf ogt, %reduce_or3A_19, %reduce_or3A_21 : vector<104xf32>
    %broadcast_in_dim3A = vector.shape_cast %reduce_or3A_22 : vector<104xi1> to vector<1x104xi1>
    %jit3A = arith.constant 1.000000e+00 : f32
    %broadcast_in_dim3A_23 = vector.broadcast %get3A_2 : f32 to vector<1x104xf32>
    %broadcast_in_dim3A_24 = vector.broadcast %jit3A : f32 to vector<1x104xf32>
    %select_n3A = arith.select %broadcast_in_dim3A, %broadcast_in_dim3A_23, %broadcast_in_dim3A_24 : vector<1x104xi1>, vector<1x104xf32>
    %jit3A_25 = arith.constant 0.000000e+00 : f32
    %broadcast_in_dim3A_26 = vector.broadcast %get3A_6 : f32 to vector<1x104xf32>
    %broadcast_in_dim3A_27 = vector.broadcast %jit3A_25 : f32 to vector<1x104xf32>
    %select_n3A_28 = arith.select %broadcast_in_dim3A, %broadcast_in_dim3A_26, %broadcast_in_dim3A_27 : vector<1x104xi1>, vector<1x104xf32>
    %dma_start3A = arith.constant 0 : i32
    %dma_start3A_29 = arith.constant 0 : i32
    %dma_start3A_30 = tpu.memref_slice %arg6[%dma_start3A_29] : memref<4x!tpu.dma_semaphore, #tpu.memory_space<semaphore_mem>> -> memref<1x!tpu.dma_semaphore, #tpu.memory_space<semaphore_mem>>
    %dma_start3A_31 = tpu.memref_squeeze %dma_start3A_30 : memref<1x!tpu.dma_semaphore, #tpu.memory_space<semaphore_mem>> -> memref<!tpu.dma_semaphore, #tpu.memory_space<semaphore_mem>>
    %dma_start3A_32 = arith.constant 0 : i32
    %dma_start3A_33 = arith.constant 0 : i32
    %dma_start3A_34 = tpu.memref_slice %arg5[%dma_start3A, %dma_start3A_32, %dma_start3A_33] : memref<4x2048x104xf32, #tpu.memory_space<vmem>> -> memref<1x2048x104xf32, #tpu.memory_space<vmem>>
    %dma_start3A_35 = tpu.memref_squeeze %dma_start3A_34 : memref<1x2048x104xf32, #tpu.memory_space<vmem>> -> memref<2048x104xf32, #tpu.memory_space<vmem>>
    %dma_start3A_36 = arith.constant 0 : i32
    %dma_start3A_37 = arith.constant 896 : i32
    %dma_start3A_38 = tpu.memref_slice %arg0[%dma_start3A_36, %dma_start3A_37] : memref<16384x1000xf32, #tpu.memory_space<any>> -> memref<2048x104xf32, #tpu.memory_space<any>>
    tpu.enqueue_dma source(%dma_start3A_38 : memref<2048x104xf32, #tpu.memory_space<any>>) target(%dma_start3A_35 : memref<2048x104xf32, #tpu.memory_space<vmem>>) target_semaphore(%dma_start3A_31 : memref<!tpu.dma_semaphore, #tpu.memory_space<semaphore_mem>>)
    %dma_start3A_39 = arith.constant 1 : i32
    %dma_start3A_40 = arith.constant 1 : i32
    %dma_start3A_41 = tpu.memref_slice %arg6[%dma_start3A_40] : memref<4x!tpu.dma_semaphore, #tpu.memory_space<semaphore_mem>> -> memref<1x!tpu.dma_semaphore, #tpu.memory_space<semaphore_mem>>
    %dma_start3A_42 = tpu.memref_squeeze %dma_start3A_41 : memref<1x!tpu.dma_semaphore, #tpu.memory_space<semaphore_mem>> -> memref<!tpu.dma_semaphore, #tpu.memory_space<semaphore_mem>>
    %dma_start3A_43 = arith.constant 0 : i32
    %dma_start3A_44 = arith.constant 0 : i32
    %dma_start3A_45 = tpu.memref_slice %arg5[%dma_start3A_39, %dma_start3A_43, %dma_start3A_44] : memref<4x2048x104xf32, #tpu.memory_space<vmem>> -> memref<1x2048x104xf32, #tpu.memory_space<vmem>>
    %dma_start3A_46 = tpu.memref_squeeze %dma_start3A_45 : memref<1x2048x104xf32, #tpu.memory_space<vmem>> -> memref<2048x104xf32, #tpu.memory_space<vmem>>
    %dma_start3A_47 = arith.constant 2048 : i32
    %dma_start3A_48 = arith.constant 896 : i32
    %dma_start3A_49 = tpu.memref_slice %arg0[%dma_start3A_47, %dma_start3A_48] : memref<16384x1000xf32, #tpu.memory_space<any>> -> memref<2048x104xf32, #tpu.memory_space<any>>
    tpu.enqueue_dma source(%dma_start3A_49 : memref<2048x104xf32, #tpu.memory_space<any>>) target(%dma_start3A_46 : memref<2048x104xf32, #tpu.memory_space<vmem>>) target_semaphore(%dma_start3A_42 : memref<!tpu.dma_semaphore, #tpu.memory_space<semaphore_mem>>)
    %dma_start3A_50 = arith.constant 2 : i32
    %dma_start3A_51 = arith.constant 2 : i32
    %dma_start3A_52 = tpu.memref_slice %arg6[%dma_start3A_51] : memref<4x!tpu.dma_semaphore, #tpu.memory_space<semaphore_mem>> -> memref<1x!tpu.dma_semaphore, #tpu.memory_space<semaphore_mem>>
    %dma_start3A_53 = tpu.memref_squeeze %dma_start3A_52 : memref<1x!tpu.dma_semaphore, #tpu.memory_space<semaphore_mem>> -> memref<!tpu.dma_semaphore, #tpu.memory_space<semaphore_mem>>
    %dma_start3A_54 = arith.constant 0 : i32
    %dma_start3A_55 = arith.constant 0 : i32
    %dma_start3A_56 = tpu.memref_slice %arg5[%dma_start3A_50, %dma_start3A_54, %dma_start3A_55] : memref<4x2048x104xf32, #tpu.memory_space<vmem>> -> memref<1x2048x104xf32, #tpu.memory_space<vmem>>
    %dma_start3A_57 = tpu.memref_squeeze %dma_start3A_56 : memref<1x2048x104xf32, #tpu.memory_space<vmem>> -> memref<2048x104xf32, #tpu.memory_space<vmem>>
    %dma_start3A_58 = arith.constant 4096 : i32
    %dma_start3A_59 = arith.constant 896 : i32
    %dma_start3A_60 = tpu.memref_slice %arg0[%dma_start3A_58, %dma_start3A_59] : memref<16384x1000xf32, #tpu.memory_space<any>> -> memref<2048x104xf32, #tpu.memory_space<any>>
    tpu.enqueue_dma source(%dma_start3A_60 : memref<2048x104xf32, #tpu.memory_space<any>>) target(%dma_start3A_57 : memref<2048x104xf32, #tpu.memory_space<vmem>>) target_semaphore(%dma_start3A_53 : memref<!tpu.dma_semaphore, #tpu.memory_space<semaphore_mem>>)
    %dma_start3A_61 = arith.constant 3 : i32
    %dma_start3A_62 = arith.constant 3 : i32
    %dma_start3A_63 = tpu.memref_slice %arg6[%dma_start3A_62] : memref<4x!tpu.dma_semaphore, #tpu.memory_space<semaphore_mem>> -> memref<1x!tpu.dma_semaphore, #tpu.memory_space<semaphore_mem>>
    %dma_start3A_64 = tpu.memref_squeeze %dma_start3A_63 : memref<1x!tpu.dma_semaphore, #tpu.memory_space<semaphore_mem>> -> memref<!tpu.dma_semaphore, #tpu.memory_space<semaphore_mem>>
    %dma_start3A_65 = arith.constant 0 : i32
    %dma_start3A_66 = arith.constant 0 : i32
    %dma_start3A_67 = tpu.memref_slice %arg5[%dma_start3A_61, %dma_start3A_65, %dma_start3A_66] : memref<4x2048x104xf32, #tpu.memory_space<vmem>> -> memref<1x2048x104xf32, #tpu.memory_space<vmem>>
    %dma_start3A_68 = tpu.memref_squeeze %dma_start3A_67 : memref<1x2048x104xf32, #tpu.memory_space<vmem>> -> memref<2048x104xf32, #tpu.memory_space<vmem>>
    %dma_start3A_69 = arith.constant 6144 : i32
    %dma_start3A_70 = arith.constant 896 : i32
    %dma_start3A_71 = tpu.memref_slice %arg0[%dma_start3A_69, %dma_start3A_70] : memref<16384x1000xf32, #tpu.memory_space<any>> -> memref<2048x104xf32, #tpu.memory_space<any>>
    tpu.enqueue_dma source(%dma_start3A_71 : memref<2048x104xf32, #tpu.memory_space<any>>) target(%dma_start3A_68 : memref<2048x104xf32, #tpu.memory_space<vmem>>) target_semaphore(%dma_start3A_64 : memref<!tpu.dma_semaphore, #tpu.memory_space<semaphore_mem>>)
    %scan3A = arith.constant 0 : i32
    %scan3A_72 = arith.constant 8 : i32
    %scan3A_73 = arith.addi %scan3A, %scan3A_72 : i32
    %scan3A_74 = arith.constant 1 : i32
    scf.for %scan3A_81 = %scan3A to %scan3A_73 step %scan3A_74  : i32 {
      %rem3A = arith.constant 4 : i32
      %rem3A_82 = arith.remsi %scan3A_81, %rem3A : i32
      %mul3A = arith.constant 2048 : i32
      %mul3A_83 = arith.muli %scan3A_81, %mul3A : i32
      %dma_wait3A = tpu.memref_slice %arg6[%rem3A_82] : memref<4x!tpu.dma_semaphore, #tpu.memory_space<semaphore_mem>> -> memref<1x!tpu.dma_semaphore, #tpu.memory_space<semaphore_mem>>
      %dma_wait3A_84 = tpu.memref_squeeze %dma_wait3A : memref<1x!tpu.dma_semaphore, #tpu.memory_space<semaphore_mem>> -> memref<!tpu.dma_semaphore, #tpu.memory_space<semaphore_mem>>
      %dma_wait3A_85 = arith.constant 0 : i32
      %dma_wait3A_86 = arith.constant 0 : i32
      %dma_wait3A_87 = tpu.memref_slice %arg5[%rem3A_82, %dma_wait3A_85, %dma_wait3A_86] : memref<4x2048x104xf32, #tpu.memory_space<vmem>> -> memref<1x2048x104xf32, #tpu.memory_space<vmem>>
      %dma_wait3A_88 = tpu.memref_squeeze %dma_wait3A_87 : memref<1x2048x104xf32, #tpu.memory_space<vmem>> -> memref<2048x104xf32, #tpu.memory_space<vmem>>
      %dma_wait3A_89 = arith.constant 896 : i32
      %dma_wait3A_90 = tpu.memref_slice %arg0[%mul3A_83, %dma_wait3A_89] : memref<16384x1000xf32, #tpu.memory_space<any>> -> memref<2048x104xf32, #tpu.memory_space<any>>
      tpu.wait_dma2 semaphore(%dma_wait3A_84 : memref<!tpu.dma_semaphore, #tpu.memory_space<semaphore_mem>>) src(%dma_wait3A_90 : memref<2048x104xf32, #tpu.memory_space<any>>) dst(%dma_wait3A_88 : memref<2048x104xf32, #tpu.memory_space<vmem>>)
      %ge3A = arith.constant 4 : i32
      %ge3A_91 = arith.cmpi sge, %scan3A_81, %ge3A : i32
      %convert_element_type3A = arith.extui %ge3A_91 : i1 to i32
      %cond3A = arith.constant 0 : i32
      %cond3A_92 = arith.cmpi ne, %convert_element_type3A, %cond3A : i32
      scf.if %cond3A_92 {
        %sub3A = arith.constant 4 : i32
        %sub3A_123 = arith.subi %scan3A_81, %sub3A : i32
        %mul3A_124 = arith.constant 2048 : i32
        %mul3A_125 = arith.muli %sub3A_123, %mul3A_124 : i32
        %dma_wait3A_126 = tpu.memref_slice %arg7[%rem3A_82] : memref<4x!tpu.dma_semaphore, #tpu.memory_space<semaphore_mem>> -> memref<1x!tpu.dma_semaphore, #tpu.memory_space<semaphore_mem>>
        %dma_wait3A_127 = tpu.memref_squeeze %dma_wait3A_126 : memref<1x!tpu.dma_semaphore, #tpu.memory_space<semaphore_mem>> -> memref<!tpu.dma_semaphore, #tpu.memory_space<semaphore_mem>>
        %dma_wait3A_128 = arith.constant 0 : i32
        %dma_wait3A_129 = tpu.memref_slice %arg4[%mul3A_125, %dma_wait3A_128] : memref<16384x104xf32, #tpu.memory_space<any>> -> memref<2048x104xf32, #tpu.memory_space<any>>
        %dma_wait3A_130 = arith.constant 0 : i32
        %dma_wait3A_131 = arith.constant 0 : i32
        %dma_wait3A_132 = tpu.memref_slice %arg5[%rem3A_82, %dma_wait3A_130, %dma_wait3A_131] : memref<4x2048x104xf32, #tpu.memory_space<vmem>> -> memref<1x2048x104xf32, #tpu.memory_space<vmem>>
        %dma_wait3A_133 = tpu.memref_squeeze %dma_wait3A_132 : memref<1x2048x104xf32, #tpu.memory_space<vmem>> -> memref<2048x104xf32, #tpu.memory_space<vmem>>
        tpu.wait_dma2 semaphore(%dma_wait3A_127 : memref<!tpu.dma_semaphore, #tpu.memory_space<semaphore_mem>>) src(%dma_wait3A_133 : memref<2048x104xf32, #tpu.memory_space<vmem>>) dst(%dma_wait3A_129 : memref<2048x104xf32, #tpu.memory_space<any>>)
      } else {
      }
      %get3A_93 = arith.index_cast %rem3A_82 : i32 to index
      %get3A_94 = arith.constant 0 : index
      %get3A_95 = arith.constant 0 : index
      %get3A_96 = vector.load %arg5[%get3A_93, %get3A_94, %get3A_95] : memref<4x2048x104xf32, #tpu.memory_space<vmem>>, vector<1x2048x104xf32>
      %get3A_97 = vector.shape_cast %get3A_96 : vector<1x2048x104xf32> to vector<2048x104xf32>
      %mul3A_98 = vector.broadcast %select_n3A : vector<1x104xf32> to vector<2048x104xf32>
      %mul3A_99 = arith.mulf %get3A_97, %mul3A_98 : vector<2048x104xf32>
      %add3A_100 = vector.broadcast %select_n3A_28 : vector<1x104xf32> to vector<2048x104xf32>
      %add3A_101 = arith.addf %mul3A_99, %add3A_100 : vector<2048x104xf32>
      %swap3A = arith.index_cast %rem3A_82 : i32 to index
      %swap3A_102 = arith.constant 0 : index
      %swap3A_103 = arith.constant 0 : index
      %swap3A_104 = vector.load %arg5[%swap3A, %swap3A_102, %swap3A_103] : memref<4x2048x104xf32, #tpu.memory_space<vmem>>, vector<1x2048x104xf32>
      %swap3A_105 = vector.shape_cast %swap3A_104 : vector<1x2048x104xf32> to vector<2048x104xf32>
      %swap3A_106 = vector.shape_cast %add3A_101 : vector<2048x104xf32> to vector<1x2048x104xf32>
      tpu.vector_store %arg5[%swap3A, %swap3A_102, %swap3A_103], %swap3A_106 {strides = array<i32>} : memref<4x2048x104xf32, #tpu.memory_space<vmem>>, vector<1x2048x104xf32>,
      %mul3A_107 = arith.constant 2048 : i32
      %mul3A_108 = arith.muli %scan3A_81, %mul3A_107 : i32
      %dma_start3A_109 = tpu.memref_slice %arg7[%rem3A_82] : memref<4x!tpu.dma_semaphore, #tpu.memory_space<semaphore_mem>> -> memref<1x!tpu.dma_semaphore, #tpu.memory_space<semaphore_mem>>
      %dma_start3A_110 = tpu.memref_squeeze %dma_start3A_109 : memref<1x!tpu.dma_semaphore, #tpu.memory_space<semaphore_mem>> -> memref<!tpu.dma_semaphore, #tpu.memory_space<semaphore_mem>>
      %dma_start3A_111 = arith.constant 0 : i32
      %dma_start3A_112 = tpu.memref_slice %arg4[%mul3A_108, %dma_start3A_111] : memref<16384x104xf32, #tpu.memory_space<any>> -> memref<2048x104xf32, #tpu.memory_space<any>>
      %dma_start3A_113 = arith.constant 0 : i32
      %dma_start3A_114 = arith.constant 0 : i32
      %dma_start3A_115 = tpu.memref_slice %arg5[%rem3A_82, %dma_start3A_113, %dma_start3A_114] : memref<4x2048x104xf32, #tpu.memory_space<vmem>> -> memref<1x2048x104xf32, #tpu.memory_space<vmem>>
      %dma_start3A_116 = tpu.memref_squeeze %dma_start3A_115 : memref<1x2048x104xf32, #tpu.memory_space<vmem>> -> memref<2048x104xf32, #tpu.memory_space<vmem>>
      tpu.enqueue_dma source(%dma_start3A_116 : memref<2048x104xf32, #tpu.memory_space<vmem>>) target(%dma_start3A_112 : memref<2048x104xf32, #tpu.memory_space<any>>) target_semaphore(%dma_start3A_110 : memref<!tpu.dma_semaphore, #tpu.memory_space<semaphore_mem>>)
      %add3A_117 = arith.constant 4 : i32
      %add3A_118 = arith.addi %scan3A_81, %add3A_117 : i32
      %lt3A = arith.constant 8 : i32
      %lt3A_119 = arith.cmpi slt, %add3A_118, %lt3A : i32
      %convert_element_type3A_120 = arith.extui %lt3A_119 : i1 to i32
      %cond3A_121 = arith.constant 0 : i32
      %cond3A_122 = arith.cmpi ne, %convert_element_type3A_120, %cond3A_121 : i32
      scf.if %cond3A_122 {
        %add3A_123 = arith.constant 4 : i32
        %add3A_124 = arith.addi %scan3A_81, %add3A_123 : i32
        %mul3A_125 = arith.constant 2048 : i32
        %mul3A_126 = arith.muli %add3A_124, %mul3A_125 : i32
        %dma_start3A_127 = tpu.memref_slice %arg6[%rem3A_82] : memref<4x!tpu.dma_semaphore, #tpu.memory_space<semaphore_mem>> -> memref<1x!tpu.dma_semaphore, #tpu.memory_space<semaphore_mem>>
        %dma_start3A_128 = tpu.memref_squeeze %dma_start3A_127 : memref<1x!tpu.dma_semaphore, #tpu.memory_space<semaphore_mem>> -> memref<!tpu.dma_semaphore, #tpu.memory_space<semaphore_mem>>
        %dma_start3A_129 = arith.constant 0 : i32
        %dma_start3A_130 = arith.constant 0 : i32
        %dma_start3A_131 = tpu.memref_slice %arg5[%rem3A_82, %dma_start3A_129, %dma_start3A_130] : memref<4x2048x104xf32, #tpu.memory_space<vmem>> -> memref<1x2048x104xf32, #tpu.memory_space<vmem>>
        %dma_start3A_132 = tpu.memref_squeeze %dma_start3A_131 : memref<1x2048x104xf32, #tpu.memory_space<vmem>> -> memref<2048x104xf32, #tpu.memory_space<vmem>>
        %dma_start3A_133 = arith.constant 896 : i32
        %dma_start3A_134 = tpu.memref_slice %arg0[%mul3A_126, %dma_start3A_133] : memref<16384x1000xf32, #tpu.memory_space<any>> -> memref<2048x104xf32, #tpu.memory_space<any>>
        tpu.enqueue_dma source(%dma_start3A_134 : memref<2048x104xf32, #tpu.memory_space<any>>) target(%dma_start3A_132 : memref<2048x104xf32, #tpu.memory_space<vmem>>) target_semaphore(%dma_start3A_128 : memref<!tpu.dma_semaphore, #tpu.memory_space<semaphore_mem>>)
      } else {
      }
    }
    %scan3A_75 = arith.constant 8 : i32
    %scan3A_76 = arith.constant 4 : i32
    %scan3A_77 = arith.constant 4 : i32
    %scan3A_78 = arith.addi %scan3A_76, %scan3A_77 : i32
    %scan3A_79 = arith.constant 1 : i32
    scf.for %scan3A_81 = %scan3A_76 to %scan3A_78 step %scan3A_79  : i32 {
      %rem3A = arith.constant 4 : i32
      %rem3A_82 = arith.remsi %scan3A_81, %rem3A : i32
      %mul3A = arith.constant 2048 : i32
      %mul3A_83 = arith.muli %scan3A_81, %mul3A : i32
      %dma_wait3A = tpu.memref_slice %arg7[%rem3A_82] : memref<4x!tpu.dma_semaphore, #tpu.memory_space<semaphore_mem>> -> memref<1x!tpu.dma_semaphore, #tpu.memory_space<semaphore_mem>>
      %dma_wait3A_84 = tpu.memref_squeeze %dma_wait3A : memref<1x!tpu.dma_semaphore, #tpu.memory_space<semaphore_mem>> -> memref<!tpu.dma_semaphore, #tpu.memory_space<semaphore_mem>>
      %dma_wait3A_85 = arith.constant 0 : i32
      %dma_wait3A_86 = tpu.memref_slice %arg4[%mul3A_83, %dma_wait3A_85] : memref<16384x104xf32, #tpu.memory_space<any>> -> memref<2048x104xf32, #tpu.memory_space<any>>
      %dma_wait3A_87 = arith.constant 0 : i32
      %dma_wait3A_88 = arith.constant 0 : i32
      %dma_wait3A_89 = tpu.memref_slice %arg5[%rem3A_82, %dma_wait3A_87, %dma_wait3A_88] : memref<4x2048x104xf32, #tpu.memory_space<vmem>> -> memref<1x2048x104xf32, #tpu.memory_space<vmem>>
      %dma_wait3A_90 = tpu.memref_squeeze %dma_wait3A_89 : memref<1x2048x104xf32, #tpu.memory_space<vmem>> -> memref<2048x104xf32, #tpu.memory_space<vmem>>
      tpu.wait_dma2 semaphore(%dma_wait3A_84 : memref<!tpu.dma_semaphore, #tpu.memory_space<semaphore_mem>>) src(%dma_wait3A_90 : memref<2048x104xf32, #tpu.memory_space<vmem>>) dst(%dma_wait3A_86 : memref<2048x104xf32, #tpu.memory_space<any>>)
    }
    %scan3A_80 = arith.constant 4 : i32
    return
  }
}

</mosaic_0001>

<sc_bundles>
// kernel: sparse-core-data-format-call.cloned.1.call-start
scs
called_computation_lowered:
.L_overlay_start_0:
0x0: {  	s2 =	sld [smem:$0x3FD9]  }
0x1: {  	s3 =	sld [smem:$0x3FFE];
	_ =	sdelay $0x1  }
0x2: {  	s1 =	srdreg.scid  }
0x3: {  	s0 =	sand.u32 $0x1, s1  }
0x4: {  	s18 =	sshll.u32 s0, $0xA;
	s2 =	sadd.s32 s3, s2  }
0x5: {  	s2 =	sadd.s32 s2, s18  }
0x6: {  	[smem:$0x3FC4] =	sst s2  }
0x7: {  	_ = 	snop  }
0x8: {  	s2 =	sld [smem:$0x3FD0];
	(tm) =	ssettm $0x1  }
0x9: {  	s19 =	sld [smem:$0x3FFB];
	_ =	sdelay $0x3  }
0xa: {  	_ =	strace s19  }
0xb: {  	s3 =	sld [smem:$0x3FFC];
	_ =	sdelay $0x3  }
0xc: {  	_ =	strace s3  }
0xd: {  	s3 =	sld [smem:$0x3FFD];
	_ =	sdelay $0x3  }
0xe: {  	_ =	strace s3  }
0xf: {  	_ =	strace $0x8FFFFFFF  }
0x10: {  	s20 =	sld [smem:$0x3FDB];
	_ =	sdelay $0x1  }
0x11: {  	s4 =	simm.s32 $_scs_section_size  }
0x12: {  	s5 =	simm.s32 $_size__tile_overlayer_lowered;
	s6 =	simm.s32 $_tile_overlayer_lowered  }
0x13: {  	s23 =	simm.s32 $0x1BFF;
	s22 =	sshll.u32 s6, $0x1;
	s3 =	sadd.s32 s4, s20  }
0x14: {  	s7 =	simm.s32 $0x0;
	s21 =	sshll.u32 s5, $0x1;
	s5 =	sadd.s32 s22, s3  }
0x15: {  	[timem:s7], [sflag:s23] =	dma.local [hbm:s5], s21  }
0x16: {  	_ =	swait.ge [sflag:s23], s21  }
0x17: {  	s4 =	ssub.s32 $0x0, s21;
	[sflag:s23] =	ssyncset.done $0x0  }
0x18: {  	[sflag:s23] =	ssyncadd.s32 s4;
	_ =	sdelay $0x1  }
0x19: {  	s24 =	simm.s32 $0x1B8B  }
0x1a: {  	_ =	swait.ge [sflag:s24], $0x1  }
0x1b: {  	[sflag:s24] =	ssyncset.done $0x0  }
0x1c: {  	s26 =	simm.s32 $0x1B8E;
	s25 =	sld [smem:$0x3FFE];
	[sflag:s24] =	ssyncadd.s32 $0xFFFFFFFF  }
0x1d: {  	s27 =	simm.s32 $execute0_lowered;
	[smem:$0x3FD2] =	sst s26  }
0x1e: {  	s5 =	sshll.u32 s27, $0x1;
	_ =	strace $0x80000046;
	[dreg:$0x1] =	wrdreg $0xFFFFFFFF  }
0x1f: {  	s28 =	simm.s32 $_size_execute0_lowered;
	s3 =	sadd.s32 s3, s5;
	[dreg:$0x0] =	wrdreg $0x0  }
0x20: {  	s5 =	sshll.u32 s28, $0x1;
	[dreg:$0x2] =	wrdreg s3  }
0x21: {  	[dreg:$0x3] =	wrdreg s5  }
0x22: {  	[dreg:$0x4] =	wrdreg $0xC0  }
0x23: {  	_ =	task [dreg:s7], $0x5FFFF  }
0x24: {  	[dreg:$0x1] =	wrdreg $0xFFFFFFFF  }
0x25: {  	[dreg:$0x0] =	wrdreg $0x60  }
0x26: {  	[dreg:$0x2] =	wrdreg s25  }
0x27: {  	[dreg:$0x3] =	wrdreg s2  }
0x28: {  	[dreg:$0x4] =	wrdreg $0x9  }
0x29: {  	_ =	task.clear_ibuf [dreg:s7], $0x5FFFF;
	_ =	strace $0x90000046  }
0x2a: {  	s29 =	simm.s32 $0x9;
	_ =	strace $0x80000048  }
0x2b: {  	_ =	swait.ge [sflag:s29], $0x1  }
0x2c: {  	[sflag:s29] =	ssyncadd.s32 $0xFFFFFFFF  }
0x2d: {  	_ =	strace $0x90000048  }
0x2e: {  	_ =	sfence  }
0x2f: {  	s30 =	sld [smem:$0x0];
	_ =	sdelay $0x2  }
0x30: {  	s31 =	sshll.u32 s1, $0xD;
	s1 =	sshrl.u32 s1, $0x2  }
0x31: {  	s3 =	sand.u32 $0x4000, s31;
	s1 =	sadd.s32 s1, s30  }
0x32: {  	s0 =	sor.u32 s3, s0;
	s1 =	sshll.u32 s1, $0x11  }
0x33: {  	s0 =	sor.u32 s1, s0  }
0x34: {  	s0 =	sadd.s32 $0x8F2B, s0  }
0x35: {  	[sflag:s0] =	ssyncadd.remote.s32 $0x1  }
0x36: {  	_ =	sfence.sel $0xFFFF  }
0x37: {  	[dreg:$0x0] =	wrdreg $0xFFFFFFFF;
	(pc) =	sbr.abs _section_cstart, $3  }
0x38: {  	[dreg:$0x1] =	wrdreg $0xFFFFFFFF  }
0x39: {  	_ =	task.clear_ibuf [dreg:s7], $0x2FFFF;
	_ =	strace $0x9FFFFFFF  }
0x3a: {  	(tm) =	ssettm $0x7FFFFFFF  }
0x3b: {  	_ =	shalt  }
tec
execute0_lowered:
.L_overlay_start_1:
0x0: {  	(tag) =	ssettag $0x1  }
0x1: {  	s0 =	srdreg.scid;
	s5 =	rddreg [dreg:$0x0]  }
0x2: {  	s3 =	rddreg [dreg:$0x1];
	s1 =	sshll.u32 s0, $0x4  }
0x3: {  	s7 =	simm.s32 $0x1;
	s0 =	stileid.u32;
	s1 =	sand.u32 $0x10, s1  }
0x4: {  	s8 =	simm.s32 $0x2;
	s15 =	simm.s32 $0x0;
	s1 =	sor.u32 s0, s1  }
0x5: {  	s14 =	simm.s32 $0x0;
	s9 =	simm.s32 $0x0;
	s2 =	sshll.u32 s1, $0x7  }
0x6: {  	s10 =	simm.s32 $0x0;
	s11 =	simm.s32 $0x0;
	s6 =	ssub.s32 $0x4000, s2  }
0x7: {  	s13 =	simm.s32 $0x0;
	s5 =	sadd.s32 $0xC00, s5;
	s4 =	sand.u32 $0xF80, s6  }
.Ltmp0:
0x8: {  	s1 =	rddreg [dreg:$0x2];
	p0 =	sne.s32 s4, $0x0;
	(pc) =	sbr.rel .LBB1_1-.Ltmp0, $4  }
0x9: {  	_ =	strace $0x80000047;
	s6 =	sshrl.u32 s6, $0xC;
	s7 =	simm.s32 @!p0 $0x0  }
0xa: {  	s12 =	smov.u32 s2;
	s4 =	simm.s32 $0x1;
	s6 =	sadd.s32 s7, s6  }
0xb: {  	[sflag:s4] =	ssyncpa.u1 $0x0;
	p0 =	por $0x0, $0x0;
	s6 =	sshll.u32 s6, $0x3  }
0xc: {  	[sflag:s8] =	ssyncpa.u1 $0x0;
	s8 =	simm.s32 $0x20000;
	s7 =	sor.u32 $0x1, s6  }
.LBB1_4:
0xd: {  	s20 =	sshra.s32 s20, $0x2  }
0xe: {  	s28 =	sand.u32 $0x78, s10;
	s21 =	sshll.u32 s9, $0xE;
	s22 =	sshll.u32 s10, $0x3  }
0xf: {  	s24 =	sshll.u32 s9, $0x7;
	p1 =	sgt.s32 s9, $0x368;
	s30 =	sshra.s32 s9, $0x1F  }
0x10: {  	s26 =	sshra.s32 s10, $0x1F;
	s19 =	sadd.s32 s20, s19;
	s21 =	sand.u32 $0xFFFE0000, s21  }
0x11: {  	v5 =	vld [tilespmem:s17+$0xFFFFFFD0];
	[tilespmem:s18+$0x2040 ss:$0x81] =	vst.msk $0xffff, v4;
	s23 =	sand.u32 $0xFFFFFC00, s22;
	s29 =	sand.u32 $0x380, s24;
	s22 =	sand.u32 $0x3C00, s22  }
0x12: {  	v58 =	vld [tilespmem:s17+$0xFFFFFFE0];
	[tilespmem:s18+$0x2850 ss:$0x81] =	vst.msk $0xffff, v3;
	s21 =	sadd.s32 s23, s21;
	s20 =	sor.u32 s28, s22;
	s22 =	smov.u32 s9  }
0x13: {  	v59 =	vld [tilespmem:s17+$0xFFFFFFF0];
	[tilespmem:s18+$0x3060 ss:$0x81] =	vst.msk $0xffff, v2;
	s24 =	sand.u32 s30, s9;
	s21 =	sshrl.u32 s21, $0xE;
	s22 =	simm.s32 @!p1 $0x368  }
0x14: {  	v60 =	vld [tilespmem:s17+$0x0];
	[tilespmem:s18+$0x0 ss:$0x81] =	vst.msk $0xffff, v1;
	p1 =	sgt.s32 s10, $0x3F80;
	s31 =	ssub.s32 s22, s24;
	s22 =	smov.u32 s10  }
0x15: {  	v61 =	vld [tilespmem:s17+$0x10];
	[tilespmem:s19+$0x3870 ss:$0x81] =	vst.msk $0xffff, v0;
	s25 =	smulhi.u32 $0x418938, s21;
	s24 =	sand.u32 s26, s10;
	s22 =	simm.s32 @!p1 $0x3F80  }
0x16: {  	v62 =	vld [tilespmem:s17+$0x20];
	s20 =	sor.u32 s29, s20;
	[tilespmem:s19+$0x810 ss:$0x81] =	vst.msk $0xffff, v5;
	s27 =	sadd.s32 $0xFFFFFC98, s31;
	s22 =	ssub.s32 s22, s24  }
0x17: {  	v63 =	vld [tilespmem:s17+$0xFFFFFFC0];
	[tilespmem:s19+$0x1020 ss:$0x81] =	vst.msk $0xffff, v58;
	s18 =	ssub.s32 $0x3E8, s31;
	s28 =	smul.u32 $0x3E8, s25;
	s29 =	sadd.s32 $0xFFFFC080, s22  }
0x18: {  	[tilespmem:s19+$0x1830 ss:$0x81] =	vst.msk $0xffff, v59;
	p1 =	sgt.s32 s27, $0x7F;
	s22 =	ssub.s32 $0x4000, s22;
	p2 =	sgt.s32 s29, $0x7F  }
0x19: {  	s30 =	sand.u32 $0x7, s10;
	[tilespmem:s19+$0x2040 ss:$0x81] =	vst.msk $0xffff, v60;
	s18 =	simm.s32 @p1 $0x0;
	s22 =	simm.s32 @p2 $0x0  }
0x1a: {  	s20 =	sshrl.u32 s20, $0x3;
	[tilespmem:s19+$0x2850 ss:$0x81] =	vst.msk $0xffff, v61;
	s17 =	ssub.s32 s21, s28;
	s18 =	smul.u32 s22, s18  }
0x1b: {  	[tilespmem:s19+$0x3060 ss:$0x81] =	vst.msk $0xffff, v62;
	s20 =	sadd.s32 s3, s20;
	s21 =	sshll.u32 s30, $0x12;
	s17 =	sshll.u32 s17, $0xB  }
0x1c: {  	[tilespmem:s19+$0x0 ss:$0x81] =	vst.msk $0xffff, v63;
	s31 =	sor.u32 $0x400, s21;
	s17 =	sadd.s32 s17, s20;
	s18 =	sand.u32 $0x3FFFFFFF, s18  }
0x1d: {  	[hbm4b:s17+s31] =	stream.strided.scatter [tilespmem:s16], [sflag:$0x2], s18, s8, s31, $0x20;
	[tilespmem:$0x10100] =	vst v63  }
.LBB1_5:
0x1e: {  	p1 =	slt.u32 s13, $0x2  }
0x1f: {  	s17 =	smov.u32 s15;
	p2 =	sgt.s32 @!p1 s15, $0x368;
	s16 =	sshra.s32 @!p1 s15, $0x1F  }
0x20: {  	p3 =	sgt.s32 @!p1 s14, $0x3F80;
	s18 =	sshra.s32 @!p1 s14, $0x1F;
	p2 =	por !p2, p1  }
0x21: {  	s15 =	sand.u32 @!p1 s16, s15;
	p3 =	por !p3, p1;
	s16 =	smov.u32 s14  }
0x22: {  	s14 =	sand.u32 @!p1 s18, s14;
	s17 =	simm.s32 @p2 $0x368;
	s16 =	simm.s32 @p3 $0x3F80  }
0x23: {  	s15 =	ssub.s32 @!p1 s17, s15;
	s14 =	ssub.s32 @!p1 s16, s14  }
0x24: {  	s18 =	smov.u32 s12;
	s16 =	sadd.s32 @!p1 $0xFFFFFC98, s15;
	s17 =	sadd.s32 @!p1 $0xFFFFC080, s14  }
0x25: {  	s15 =	ssub.s32 @!p1 $0x3E8, s15;
	p2 =	sgt.s32 @!p1 s16, $0x7F;
	p3 =	sgt.s32 @!p1 s17, $0x7F  }
0x26: {  	s14 =	ssub.s32 @!p1 $0x4000, s14;
	p2 =	por !p2, p1;
	p3 =	por !p3, p1  }
0x27: {  	s16 =	sadd.s32 $0x80, s11;
	s15 =	simm.s32 @!p2 $0x0;
	s14 =	simm.s32 @!p3 $0x0  }
0x28: {  	p2 =	sgt.s32 s16, $0x3E7;
	s14 =	smul.u32 @!p1 s14, s15;
	s15 =	sadd.s32 $0x1000, s12  }
0x29: {  	s18 =	smov.u32 @p2 s15  }
0x2a: {  	s16 =	simm.s32 @p2 $0x0;
	p2 =	sgt.s32 s18, $0x3FFF  }
0x2b: {  	s18 =	smov.u32 @p2 s2;
	p2 =	sne.s32 s13, s7  }
.Ltmp1:
0x2c: {  	p0 =	por !p0, !p0;
	s17 =	simm.s32 @!p1 $0x2;
	(pc) =	sbr.rel @!p2 .LBB1_6-.Ltmp1, $4  }
0x2d: {  	s15 =	smov.u32 s9;
	s9 =	smov.u32 s11;
	s14 =	sand.u32 @!p1 $0x3FFFFFFF, s14  }
0x2e: {  	s11 =	smov.u32 s16;
	_ =	swait.ge @!p1 [sflag:s17], s14;
	s19 =	ssub.s32 @!p1 $0x0, s14  }
0x2f: {  	s14 =	smov.u32 s10;
	s13 =	sadd.s32 $0x1, s13;
	[sflag:s17] =	ssyncset.done @!p1 $0x0  }
0x30: {  	s10 =	smov.u32 s12;
	s12 =	smov.u32 s18;
	[sflag:s17] =	ssyncadd.s32 @!p1 s19  }
.LBB1_1:
0x31: {  	p1 =	sge.u32 s13, s6  }
0x32: {  	s31 =	sadd.s32 $0xFFFFFFFF, s13;
	s16 =	sshll.u32 @!p1 s12, $0xA  }
0x33: {  	s17 =	sshll.u32 @!p1 s11, $0x3;
	s18 =	sshll.u32 @!p1 s12, $0x7;
	s16 =	sand.u32 @!p1 $0xFFE000, s16  }
0x34: {  	s19 =	sand.u32 @!p1 $0x78, s11;
	s16 =	sadd.s32 @!p1 s16, s17;
	s17 =	sand.u32 @!p1 $0x380, s18  }
0x35: {  	s18 =	sxor.u32 @!p1 $0xFFFFFFFF, s13;
	s16 =	sand.u32 @!p1 $0xFFFC00, s16;
	s17 =	sor.u32 @!p1 s17, s19  }
0x36: {  	s18 =	sshll.u32 @!p1 s18, $0xE;
	s16 =	sor.u32 @!p1 s16, s17;
	s17 =	sand.u32 @!p1 $0x7, s11  }
0x37: {  	s19 =	simm.s32 @!p1 $0x2000;
	s16 =	sshrl.u32 @!p1 s16, $0x3;
	s17 =	sshll.u32 @!p1 s17, $0x12  }
0x38: {  	s18 =	sand.u32 @!p1 $0x4000, s18;
	s16 =	sadd.s32 @!p1 s5, s16;
	s17 =	sor.u32 @!p1 $0x400, s17  }
0x39: {  	[tilespmem:s18], [sflag:$0x1] =	stream.strided.gather @!p1 [hbm4b:s16+s17], $0x4000, s19, s17, $0x38;
	[tilespmem:$0x10100] =	vst v63  }
0x3a: {  	p1 =	sge.u32 s31, s6  }
.Ltmp2:
0x3b: {  	_ = 	snop;
	(pc) =	sbr.rel @p1 .LBB1_5-.Ltmp2, $1  }
0x3c: {  	_ =	sdelay $0x3  }
0x3d: {  	s16 =	simm.s32 $0x1  }
0x3e: {  	_ =	swait.ge [sflag:s4], $0x4000;
	s16 =	simm.s32 @!p0 $0x0  }
0x3f: {  	[sflag:s4] =	ssyncset.done $0x0;
	s17 =	sshll.u32 s16, $0xE  }
0x40: {  	[sflag:s4] =	ssyncadd.s32 $0xFFFFC000;
	s17 =	sor.u32 $0x40, s17  }
0x41: {  	s16 =	smul.u32 $0x10200, s16;
	v0 =	vld [tilespmem:s17+$0x30]  }
0x42: {  	v1 =	vld [tilespmem:s17+$0xFFFFFFD0]  }
0x43: {  	s16 =	sshrl.u32 s16, $0x2;
	v5 =	vld [tilespmem:s17+$0xFFFFFFE0]  }
0x44: {  	v6 =	vld [tilespmem:s17+$0xFFFFFFF0];
	s19 =	sor.u32 $0x8000, s16  }
0x45: {  	s31 =	sand.u32 $0x1, s13;
	v4 =	vld [tilespmem:s17+$0x0];
	s18 =	sadd.s32 $0x0, s19  }
0x46: {  	v3 =	vld [tilespmem:s17+$0x10];
	s16 =	smul.u32 $0x10200, s31;
	[tilespmem:s18+$0x3870 ss:$0x81] =	vst.msk $0xffff, v0  }
0x47: {  	v2 =	vld [tilespmem:s17+$0x20];
	[tilespmem:s18+$0x810 ss:$0x81] =	vst.msk $0xffff, v1  }
0x48: {  	s16 =	sshrl.u32 s16, $0x2;
	v1 =	vld [tilespmem:s17+$0xFFFFFFC0];
	[tilespmem:s18+$0x1020 ss:$0x81] =	vst.msk $0xffff, v5;
	s17 =	sadd.s32 $0x80, s17  }
0x49: {  	s20 =	simm.s32 $0x4;
	s21 =	simm.s32 $0x8;
	s16 =	sor.u32 $0x8000, s16;
	[tilespmem:s18+$0x1830 ss:$0x81] =	vst.msk $0xffff, v6;
	v0 =	vld [tilespmem:s17+$0x30]  }
.LBB1_3:
0x4a: {  	p1 =	sne.s32 s21, $0x1FC;
	v5 =	vld [tilespmem:s17+$0xFFFFFFD0];
	[tilespmem:s18+$0x2040 ss:$0x81] =	vst.msk $0xffff, v4  }
0x4b: {  	v6 =	vld [tilespmem:s17+$0xFFFFFFE0];
	[tilespmem:s18+$0x2850 ss:$0x81] =	vst.msk $0xffff, v3  }
0x4c: {  	s22 =	sshra.s32 s20, $0x2;
	s20 =	smov.u32 s21;
	v7 =	vld [tilespmem:s17+$0xFFFFFFF0];
	[tilespmem:s18+$0x3060 ss:$0x81] =	vst.msk $0xffff, v2  }
.Ltmp3:
0x4d: {  	v4 =	vld [tilespmem:s17+$0x0];
	[tilespmem:s18+$0x0 ss:$0x81] =	vst.msk $0xffff, v1;
	s18 =	sadd.s32 s22, s19;
	(pc) =	sbr.rel @p1 .LBB1_3-.Ltmp3, $4  }
0x4e: {  	v3 =	vld [tilespmem:s17+$0x10];
	[tilespmem:s18+$0x3870 ss:$0x81] =	vst.msk $0xffff, v0  }
0x4f: {  	[tilespmem:s18+$0x810 ss:$0x81] =	vst.msk $0xffff, v5;
	v2 =	vld [tilespmem:s17+$0x20]  }
0x50: {  	v1 =	vld [tilespmem:s17+$0xFFFFFFC0];
	[tilespmem:s18+$0x1020 ss:$0x81] =	vst.msk $0xffff, v6;
	s17 =	sadd.s32 $0x80, s17  }
0x51: {  	s21 =	sadd.s32 $0x4, s21;
	v0 =	vld [tilespmem:s17+$0x30];
	[tilespmem:s18+$0x1830 ss:$0x81] =	vst.msk $0xffff, v7  }
.Ltmp4:
0x52: {  	_ = 	snop;
	(pc) =	sbr.rel .LBB1_4-.Ltmp4, $1  }
0x53: {  	_ =	sdelay $0x3  }
.LBB1_6:
0x54: {  	_ =	sfence.sel $0x180000  }
0x55: {  	s2 =	simm.s32 $0x1;
	[bflag:$0x0] =	sbarrier.arrive $0xFFFF  }
0x56: {  	s31 =	simm.s32 $0x2;
	[sflag:s2] =	ssyncpa.u1 $0x1  }
0x57: {  	[sflag:s31] =	ssyncpa.u1 $0x1  }
0x58: {  	p0 =	sne.s32 s0, $0x0;
	_ =	strace $0x90000047  }
0x59: {  	s0 =	sadd.s32 @!p0 $0x100000, s1;
	[bflag:$0x2] =	sbarrier.arrive $0xFFFF  }
0x5a: {  	[sflag:s0] =	ssyncadd.tile.s32 @!p0 $0x1;
	_ =	shalt  }
.Lfunc_end1:
_tile_overlayer_lowered:
.L_overlay_start_2:
0x5b: {  	(tag) =	ssettag $0x2  }
0x5c: {  	s0 =	rddreg [dreg:$0x0];
	s2 =	stileid.u32  }
0x5d: {  	s1 =	rddreg [dreg:$0x1];
	p0 =	sne.s32 s2, $0x0  }
0x5e: {  	s3 =	rddreg [dreg:$0x2];
	[bflag:$0x3] =	sbarrier.arrive $0xFFFF;
	s2 =	simm.s32 @!p0 $0x1C01  }
0x5f: {  	[timem:s3], [sflag:s2] =	dma.local @!p0 [hbm:s0], s1  }
0x60: {  	s0 =	simm.s32 @!p0 $0x1  }
0x61: {  	_ =	swait.ge @!p0 [sflag:s0], s1  }
0x62: {  	s1 =	ssub.s32 @!p0 $0x0, s1;
	[sflag:s0] =	ssyncset.done @!p0 $0x0  }
0x63: {  	[sflag:s0] =	ssyncadd.s32 @!p0 s1  }
0x64: {  	[bflag:$0x3] =	sbarrier.arrive $0xFFFF  }
0x65: {  	_ =	shalt  }

</sc_bundles>
